<compile_context>
chip_gen: v7x
topology: tpu7x:2x2x1
jax: 0.10.2.dev20260603
libtpu: 0.0.44.dev20260713+nightly
codegen_flags: <defaults>
</compile_context>

<pallas_src>
import functools

import jax
import jax.numpy as jnp
from jax import lax
from jax.experimental import pallas as pl
from jax.experimental.pallas import tpu as pltpu
from jax.experimental.pallas import tpu_sc as plsc

N_EMBED = 4096
NUM_EXPERTS = 64
TOP_K = 8
TOKENS = 4 * 4096
BLOCK_T = 512

SC_CORES = 2
SC_SUBCORES = 16
SC_LANES = 16
NUM_WORKERS = SC_CORES * SC_SUBCORES
TOK_PER_W = TOKENS // NUM_WORKERS


def _matmul_kernel(x_ref, w_ref, b_ref, out_ref):
    out_ref[...] = jax.lax.dot_general(
        x_ref[...], w_ref[...],
        dimension_numbers=(((1,), (1,)), ((), ())),
        preferred_element_type=jnp.float32,
    ) + b_ref[...]


def _tc_logits(x2d, W, b2d):
    grid = (TOKENS // BLOCK_T,)
    return pl.pallas_call(
        _matmul_kernel,
        grid=grid,
        in_specs=[
            pl.BlockSpec((BLOCK_T, N_EMBED), lambda i: (i, 0)),
            pl.BlockSpec((NUM_EXPERTS, N_EMBED), lambda i: (0, 0)),
            pl.BlockSpec((1, NUM_EXPERTS), lambda i: (0, 0)),
        ],
        out_specs=pl.BlockSpec((BLOCK_T, NUM_EXPERTS), lambda i: (i, 0)),
        out_shape=jax.ShapeDtypeStruct((TOKENS, NUM_EXPERTS), jnp.float32),
    )(x2d, W, b2d)


def _merge_top16(ak, av, bk, bv):
    rbk = lax.rev(bk, (0,))
    rbv = lax.rev(bv, (0,))
    take_a = ak >= rbk
    mk = jnp.where(take_a, ak, rbk)
    mv = jnp.where(take_a, av, rbv)
    return plsc.sort_key_val(mk, mv, descending=True)


def _sc_body(logits_hbm, out_hbm, idx_hbm, in_v, out_v, idx_v):
    wid = lax.axis_index("s") * SC_CORES + lax.axis_index("c")
    base = wid * TOK_PER_W
    pltpu.sync_copy(logits_hbm.at[pl.ds(base, TOK_PER_W)], in_v)

    lanes = lax.iota(jnp.int32, SC_LANES)
    mask8 = lanes < TOP_K
    zero16 = jnp.zeros((SC_LANES,), jnp.float32)

    @plsc.parallel_loop(0, TOK_PER_W, unroll=8)
    def body(t):
        k0 = in_v[t, pl.ds(0, 16)]
        k1 = in_v[t, pl.ds(16, 16)]
        k2 = in_v[t, pl.ds(32, 16)]
        k3 = in_v[t, pl.ds(48, 16)]
        s0k, s0v = plsc.sort_key_val(k0, lanes, descending=True)
        s1k, s1v = plsc.sort_key_val(k1, lanes + 16, descending=True)
        s2k, s2v = plsc.sort_key_val(k2, lanes + 32, descending=True)
        s3k, s3v = plsc.sort_key_val(k3, lanes + 48, descending=True)
        m01k, m01v = _merge_top16(s0k, s0v, s1k, s1v)
        m23k, m23v = _merge_top16(s2k, s2v, s3k, s3v)
        fk, fv = _merge_top16(m01k, m01v, m23k, m23v)

        e = jnp.exp(fk - jnp.max(fk))
        esel = jnp.where(mask8, e, 0.0)
        probs = esel / jnp.sum(esel)

        out_v[t, pl.ds(0, 16)] = zero16
        out_v[t, pl.ds(16, 16)] = zero16
        out_v[t, pl.ds(32, 16)] = zero16
        out_v[t, pl.ds(48, 16)] = zero16
        tvec = jnp.full((SC_LANES,), t, jnp.int32)
        plsc.store_scatter(out_v, [tvec, fv], probs, mask=mask8)
        plsc.store_scatter(idx_v, [tvec, lanes], fv, mask=mask8)

    pltpu.sync_copy(out_v, out_hbm.at[pl.ds(base, TOK_PER_W)])
    pltpu.sync_copy(idx_v, idx_hbm.at[pl.ds(base, TOK_PER_W)])


_sc_topk = functools.partial(
    pl.kernel,
    mesh=plsc.VectorSubcoreMesh(core_axis_name="c", subcore_axis_name="s"),
    compiler_params=pltpu.CompilerParams(
        needs_layout_passes=False, use_tc_tiling_on_sc=False
    ),
    out_type=[
        jax.ShapeDtypeStruct((TOKENS, NUM_EXPERTS), jnp.float32),
        jax.ShapeDtypeStruct((TOKENS, TOP_K), jnp.int32),
    ],
    scratch_types=[
        pltpu.VMEM((TOK_PER_W, NUM_EXPERTS), jnp.float32),
        pltpu.VMEM((TOK_PER_W, NUM_EXPERTS), jnp.float32),
        pltpu.VMEM((TOK_PER_W, TOP_K), jnp.int32),
    ],
)(_sc_body)


def kernel(mh_output, W, b):
    B, S, E = mh_output.shape
    x2d = mh_output.reshape(B * S, E)
    logits = _tc_logits(x2d, W, b.reshape(1, NUM_EXPERTS))
    out, idx = _sc_topk(logits)
    return out.reshape(B, S, NUM_EXPERTS), idx.reshape(B, S, TOP_K)

# --- scband reference (transcript-rebuilt; emitter-appended) ---
"""Pipeline reference for scband-topk-router-2499670966297 (READ-ONLY COPY).

The authoritative reference and input builder live on the scoring server;
editing this copy changes nothing except your own understanding.
"""

import jax, jax.numpy as jnp
import numpy as np

N_EMBED = 4096
NUM_EXPERTS = 64
TOP_K = 8
BATCH = 4
SEQ = 4096


def setup_inputs(seed: int = 0) -> dict:
    key = jax.random.key(seed)
    k1, k2, k3 = jax.random.split(key, 3)
    mh_output = jax.random.normal(k1, (BATCH, SEQ, N_EMBED), dtype=jnp.float32)
    W = jax.random.normal(k2, (NUM_EXPERTS, N_EMBED), dtype=jnp.float32) * (1.0 / np.sqrt(N_EMBED))
    b = jax.random.normal(k3, (NUM_EXPERTS,), dtype=jnp.float32) * 0.01
    return {"mh_output": mh_output, "W": W, "b": b}


def reference(mh_output, W, b):
    # logits = self.linear(mh_output)
    logits = mh_output @ W.T + b
    # top_k_logits, indices = logits.topk(self.top_k, dim=-1)
    top_k_logits, indices = jax.lax.top_k(logits, TOP_K)
    # zeros = torch.full_like(logits, -inf); sparse = zeros.scatter(-1, indices, top_k_logits)
    zeros = jnp.full_like(logits, -jnp.inf)
    B, S, _ = logits.shape
    b_idx = jnp.arange(B)[:, None, None]
    s_idx = jnp.arange(S)[None, :, None]
    sparse_logits = zeros.at[b_idx, s_idx, indices].set(top_k_logits)
    # router_output = softmax(sparse_logits, dim=-1)
    router_output = jax.nn.softmax(sparse_logits, axis=-1)
    return (router_output, indices)

if __name__ == "__main__":
    import jax
    _d = setup_inputs()
    print(jax.jit(kernel)(*tuple(_d.values())))

</pallas_src>

<mosaic_0001>
#map = affine_map<(d0, d1) -> (0, 0)>
module attributes {stable_mosaic.version = 14 : i64} {
  func.func @_sc_body(%arg0: i32, %arg1: i32, %arg2: memref<16384x64xf32, #tpu.memory_space<hbm>>, %arg3: memref<16384x64xf32, #tpu.memory_space<hbm>>, %arg4: memref<16384x8xi32, #tpu.memory_space<hbm>>, %arg5: memref<512x64xf32, #tpu.memory_space<vmem>>, %arg6: memref<512x64xf32, #tpu.memory_space<vmem>>, %arg7: memref<512x8xi32, #tpu.memory_space<vmem>>) attributes {dimension_semantics = [#tpu.dimension_semantics<core_parallel>, #tpu.dimension_semantics<subcore_parallel>], iteration_bounds = array<i64: 2, 16>, scalar_prefetch = 0 : i64, scratch_operands = 3 : i64, tpu.core_type = #tpu.core_type<sc_vector_subcore>, window_params = [{transform_indices = #map}, {transform_indices = #map}, {transform_indices = #map}]} {
    %mul3A = arith.constant 2 : i32
    %mul3A_0 = arith.muli %arg1, %mul3A : i32
    %add3A = arith.addi %mul3A_0, %arg0 : i32
    %mul3A_1 = arith.constant 512 : i32
    %mul3A_2 = arith.muli %add3A, %mul3A_1 : i32
    "tpu.region"() ({
      %run_scoped3A = tpu.sem_alloc : memref<!tpu.dma_semaphore, #tpu.memory_space<semaphore_mem>>
      %dma_start3A = arith.constant 0 : i32
      %dma_start3A_8 = tpu.memref_slice %arg2[%mul3A_2, %dma_start3A] : memref<16384x64xf32, #tpu.memory_space<hbm>> -> memref<512x64xf32, #tpu.memory_space<hbm>>
      %dma_start3A_9 = arith.constant 0 : i32
      %dma_start3A_10 = tpu.memref_slice %arg2[%mul3A_2, %dma_start3A_9] : memref<16384x64xf32, #tpu.memory_space<hbm>> -> memref<512x64xf32, #tpu.memory_space<hbm>>
      tpu.enqueue_dma source(%dma_start3A_10 : memref<512x64xf32, #tpu.memory_space<hbm>>) target(%arg5 : memref<512x64xf32, #tpu.memory_space<vmem>>) target_semaphore(%run_scoped3A : memref<!tpu.dma_semaphore, #tpu.memory_space<semaphore_mem>>)
      %dma_wait3A = arith.constant 0 : i32
      %dma_wait3A_11 = tpu.memref_slice %arg2[%mul3A_2, %dma_wait3A] : memref<16384x64xf32, #tpu.memory_space<hbm>> -> memref<512x64xf32, #tpu.memory_space<hbm>>
      %dma_wait3A_12 = arith.constant 0 : i32
      %dma_wait3A_13 = tpu.memref_slice %arg2[%mul3A_2, %dma_wait3A_12] : memref<16384x64xf32, #tpu.memory_space<hbm>> -> memref<512x64xf32, #tpu.memory_space<hbm>>
      tpu.wait_dma2 semaphore(%run_scoped3A : memref<!tpu.dma_semaphore, #tpu.memory_space<semaphore_mem>>) src(%dma_wait3A_13 : memref<512x64xf32, #tpu.memory_space<hbm>>) dst(%arg5 : memref<512x64xf32, #tpu.memory_space<vmem>>)
      tpu.yield
    }) : () -> ()
    %iota3A = tpu.iota {dimensions = array<i32: 0>} : vector<16xi32>
    %lt3A = arith.constant 8 : i32
    %lt3A_3 = vector.broadcast %lt3A : i32 to vector<16xi32>
    %lt3A_4 = arith.cmpi slt, %iota3A, %lt3A_3 : vector<16xi32>
    %broadcast_in_dim3A = arith.constant 0.000000e+00 : f32
    %broadcast_in_dim3A_5 = vector.broadcast %broadcast_in_dim3A : f32 to vector<16xf32>
    %parallel_loop3A = arith.constant 0 : i32
    %parallel_loop3A_6 = arith.constant 512 : i32
    %parallel_loop3A_7 = arith.constant 1 : i32
    scf.for %parallel_loop3A_8 = %parallel_loop3A to %parallel_loop3A_6 step %parallel_loop3A_7  : i32 {
      %parallel_loop3A_9 = arith.index_cast %parallel_loop3A_8 : i32 to index
      %parallel_loop3A_10 = arith.constant 0 : index
      %parallel_loop3A_11 = tpu.vector_load %arg5[%parallel_loop3A_9, %parallel_loop3A_10] {strides = array<i32>} : memref<512x64xf32, #tpu.memory_space<vmem>>, vector<16xf32>,
      %parallel_loop3A_12 = arith.index_cast %parallel_loop3A_8 : i32 to index
      %parallel_loop3A_13 = arith.constant 16 : index
      %parallel_loop3A_14 = tpu.vector_load %arg5[%parallel_loop3A_12, %parallel_loop3A_13] {strides = array<i32>} : memref<512x64xf32, #tpu.memory_space<vmem>>, vector<16xf32>,
      %parallel_loop3A_15 = arith.index_cast %parallel_loop3A_8 : i32 to index
      %parallel_loop3A_16 = arith.constant 32 : index
      %parallel_loop3A_17 = tpu.vector_load %arg5[%parallel_loop3A_15, %parallel_loop3A_16] {strides = array<i32>} : memref<512x64xf32, #tpu.memory_space<vmem>>, vector<16xf32>,
      %parallel_loop3A_18 = arith.index_cast %parallel_loop3A_8 : i32 to index
      %parallel_loop3A_19 = arith.constant 48 : index
      %parallel_loop3A_20 = tpu.vector_load %arg5[%parallel_loop3A_18, %parallel_loop3A_19] {strides = array<i32>} : memref<512x64xf32, #tpu.memory_space<vmem>>, vector<16xf32>,
      %parallel_loop3A_21 = arith.constant dense<true> : vector<16xi1>
      %parallel_loop3A_22, %parallel_loop3A_23, %parallel_loop3A_24 = tpu.sort %parallel_loop3A_11, %iota3A masked %parallel_loop3A_21 {descending = true} : (vector<16xf32>, vector<16xi32>, vector<16xi1>) -> (vector<16xi1>, vector<16xf32>, vector<16xi32>)
      %parallel_loop3A_25 = arith.constant 16 : i32
      %parallel_loop3A_26 = vector.broadcast %parallel_loop3A_25 : i32 to vector<16xi32>
      %parallel_loop3A_27 = arith.addi %iota3A, %parallel_loop3A_26 : vector<16xi32>
      %parallel_loop3A_28 = arith.constant dense<true> : vector<16xi1>
      %parallel_loop3A_29, %parallel_loop3A_30, %parallel_loop3A_31 = tpu.sort %parallel_loop3A_14, %parallel_loop3A_27 masked %parallel_loop3A_28 {descending = true} : (vector<16xf32>, vector<16xi32>, vector<16xi1>) -> (vector<16xi1>, vector<16xf32>, vector<16xi32>)
      %parallel_loop3A_32 = arith.constant 32 : i32
      %parallel_loop3A_33 = vector.broadcast %parallel_loop3A_32 : i32 to vector<16xi32>
      %parallel_loop3A_34 = arith.addi %iota3A, %parallel_loop3A_33 : vector<16xi32>
      %parallel_loop3A_35 = arith.constant dense<true> : vector<16xi1>
      %parallel_loop3A_36, %parallel_loop3A_37, %parallel_loop3A_38 = tpu.sort %parallel_loop3A_17, %parallel_loop3A_34 masked %parallel_loop3A_35 {descending = true} : (vector<16xf32>, vector<16xi32>, vector<16xi1>) -> (vector<16xi1>, vector<16xf32>, vector<16xi32>)
      %parallel_loop3A_39 = arith.constant 48 : i32
      %parallel_loop3A_40 = vector.broadcast %parallel_loop3A_39 : i32 to vector<16xi32>
      %parallel_loop3A_41 = arith.addi %iota3A, %parallel_loop3A_40 : vector<16xi32>
      %parallel_loop3A_42 = arith.constant dense<true> : vector<16xi1>
      %parallel_loop3A_43, %parallel_loop3A_44, %parallel_loop3A_45 = tpu.sort %parallel_loop3A_20, %parallel_loop3A_41 masked %parallel_loop3A_42 {descending = true} : (vector<16xf32>, vector<16xi32>, vector<16xi1>) -> (vector<16xi1>, vector<16xf32>, vector<16xi32>)
      %parallel_loop3A_46 = arith.constant 15 : i32
      %parallel_loop3A_47 = vector.broadcast %parallel_loop3A_46 : i32 to vector<16xi32>
      %parallel_loop3A_48 = tpu.iota {dimensions = array<i32: 0>} : vector<16xi32>
      %parallel_loop3A_49 = arith.subi %parallel_loop3A_47, %parallel_loop3A_48 : vector<16xi32>
      %parallel_loop3A_50 = tpu.dynamic_gather %parallel_loop3A_30[%parallel_loop3A_49] in [0] : vector<16xf32>, vector<16xi32> -> vector<16xf32>
      %parallel_loop3A_51 = arith.constant 15 : i32
      %parallel_loop3A_52 = vector.broadcast %parallel_loop3A_51 : i32 to vector<16xi32>
      %parallel_loop3A_53 = tpu.iota {dimensions = array<i32: 0>} : vector<16xi32>
      %parallel_loop3A_54 = arith.subi %parallel_loop3A_52, %parallel_loop3A_53 : vector<16xi32>
      %parallel_loop3A_55 = tpu.dynamic_gather %parallel_loop3A_31[%parallel_loop3A_54] in [0] : vector<16xi32>, vector<16xi32> -> vector<16xi32>
      %parallel_loop3A_56 = arith.cmpf oge, %parallel_loop3A_23, %parallel_loop3A_50 : vector<16xf32>
      %parallel_loop3A_57 = arith.select %parallel_loop3A_56, %parallel_loop3A_23, %parallel_loop3A_50 : vector<16xi1>, vector<16xf32>
      %parallel_loop3A_58 = arith.select %parallel_loop3A_56, %parallel_loop3A_24, %parallel_loop3A_55 : vector<16xi1>, vector<16xi32>
      %parallel_loop3A_59 = arith.constant dense<true> : vector<16xi1>
      %parallel_loop3A_60, %parallel_loop3A_61, %parallel_loop3A_62 = tpu.sort %parallel_loop3A_57, %parallel_loop3A_58 masked %parallel_loop3A_59 {descending = true} : (vector<16xf32>, vector<16xi32>, vector<16xi1>) -> (vector<16xi1>, vector<16xf32>, vector<16xi32>)
      %parallel_loop3A_63 = arith.constant 15 : i32
      %parallel_loop3A_64 = vector.broadcast %parallel_loop3A_63 : i32 to vector<16xi32>
      %parallel_loop3A_65 = tpu.iota {dimensions = array<i32: 0>} : vector<16xi32>
      %parallel_loop3A_66 = arith.subi %parallel_loop3A_64, %parallel_loop3A_65 : vector<16xi32>
      %parallel_loop3A_67 = tpu.dynamic_gather %parallel_loop3A_44[%parallel_loop3A_66] in [0] : vector<16xf32>, vector<16xi32> -> vector<16xf32>
      %parallel_loop3A_68 = arith.constant 15 : i32
      %parallel_loop3A_69 = vector.broadcast %parallel_loop3A_68 : i32 to vector<16xi32>
      %parallel_loop3A_70 = tpu.iota {dimensions = array<i32: 0>} : vector<16xi32>
      %parallel_loop3A_71 = arith.subi %parallel_loop3A_69, %parallel_loop3A_70 : vector<16xi32>
      %parallel_loop3A_72 = tpu.dynamic_gather %parallel_loop3A_45[%parallel_loop3A_71] in [0] : vector<16xi32>, vector<16xi32> -> vector<16xi32>
      %parallel_loop3A_73 = arith.cmpf oge, %parallel_loop3A_37, %parallel_loop3A_67 : vector<16xf32>
      %parallel_loop3A_74 = arith.select %parallel_loop3A_73, %parallel_loop3A_37, %parallel_loop3A_67 : vector<16xi1>, vector<16xf32>
      %parallel_loop3A_75 = arith.select %parallel_loop3A_73, %parallel_loop3A_38, %parallel_loop3A_72 : vector<16xi1>, vector<16xi32>
      %parallel_loop3A_76 = arith.constant dense<true> : vector<16xi1>
      %parallel_loop3A_77, %parallel_loop3A_78, %parallel_loop3A_79 = tpu.sort %parallel_loop3A_74, %parallel_loop3A_75 masked %parallel_loop3A_76 {descending = true} : (vector<16xf32>, vector<16xi32>, vector<16xi1>) -> (vector<16xi1>, vector<16xf32>, vector<16xi32>)
      %parallel_loop3A_80 = arith.constant 15 : i32
      %parallel_loop3A_81 = vector.broadcast %parallel_loop3A_80 : i32 to vector<16xi32>
      %parallel_loop3A_82 = tpu.iota {dimensions = array<i32: 0>} : vector<16xi32>
      %parallel_loop3A_83 = arith.subi %parallel_loop3A_81, %parallel_loop3A_82 : vector<16xi32>
      %parallel_loop3A_84 = tpu.dynamic_gather %parallel_loop3A_78[%parallel_loop3A_83] in [0] : vector<16xf32>, vector<16xi32> -> vector<16xf32>
      %parallel_loop3A_85 = arith.constant 15 : i32
      %parallel_loop3A_86 = vector.broadcast %parallel_loop3A_85 : i32 to vector<16xi32>
      %parallel_loop3A_87 = tpu.iota {dimensions = array<i32: 0>} : vector<16xi32>
      %parallel_loop3A_88 = arith.subi %parallel_loop3A_86, %parallel_loop3A_87 : vector<16xi32>
      %parallel_loop3A_89 = tpu.dynamic_gather %parallel_loop3A_79[%parallel_loop3A_88] in [0] : vector<16xi32>, vector<16xi32> -> vector<16xi32>
      %parallel_loop3A_90 = arith.cmpf oge, %parallel_loop3A_61, %parallel_loop3A_84 : vector<16xf32>
      %parallel_loop3A_91 = arith.select %parallel_loop3A_90, %parallel_loop3A_61, %parallel_loop3A_84 : vector<16xi1>, vector<16xf32>
      %parallel_loop3A_92 = arith.select %parallel_loop3A_90, %parallel_loop3A_62, %parallel_loop3A_89 : vector<16xi1>, vector<16xi32>
      %parallel_loop3A_93 = arith.constant dense<true> : vector<16xi1>
      %parallel_loop3A_94, %parallel_loop3A_95, %parallel_loop3A_96 = tpu.sort %parallel_loop3A_91, %parallel_loop3A_92 masked %parallel_loop3A_93 {descending = true} : (vector<16xf32>, vector<16xi32>, vector<16xi1>) -> (vector<16xi1>, vector<16xf32>, vector<16xi32>)
      %parallel_loop3A_97 = arith.constant true
      %parallel_loop3A_98 = vector.broadcast %parallel_loop3A_97 : i1 to vector<16xi1>
      %parallel_loop3A_99 = tpu.scan <max>, %parallel_loop3A_95 masked %parallel_loop3A_98 : vector<16xf32>, vector<16xi1> -> vector<16xf32>
      %parallel_loop3A_100 = vector.extract %parallel_loop3A_99[15] : f32 from vector<16xf32>
      %parallel_loop3A_101 = vector.broadcast %parallel_loop3A_100 : f32 to vector<16xf32>
      %parallel_loop3A_102 = arith.subf %parallel_loop3A_95, %parallel_loop3A_101 : vector<16xf32>
      %parallel_loop3A_103 = math.exp %parallel_loop3A_102 : vector<16xf32>
      %parallel_loop3A_104 = arith.constant 0.000000e+00 : f32
      %parallel_loop3A_105 = vector.broadcast %parallel_loop3A_104 : f32 to vector<16xf32>
      %parallel_loop3A_106 = arith.select %lt3A_4, %parallel_loop3A_103, %parallel_loop3A_105 : vector<16xi1>, vector<16xf32>
      %parallel_loop3A_107 = arith.constant true
      %parallel_loop3A_108 = vector.broadcast %parallel_loop3A_107 : i1 to vector<16xi1>
      %parallel_loop3A_109 = tpu.scan <sum>, %parallel_loop3A_106 masked %parallel_loop3A_108 : vector<16xf32>, vector<16xi1> -> vector<16xf32>
      %parallel_loop3A_110 = vector.extract %parallel_loop3A_109[15] : f32 from vector<16xf32>
      %parallel_loop3A_111 = vector.broadcast %parallel_loop3A_110 : f32 to vector<16xf32>
      %parallel_loop3A_112 = arith.divf %parallel_loop3A_106, %parallel_loop3A_111 : vector<16xf32>
      %parallel_loop3A_113 = arith.index_cast %parallel_loop3A_8 : i32 to index
      %parallel_loop3A_114 = arith.constant 0 : index
      %parallel_loop3A_115 = tpu.vector_load %arg6[%parallel_loop3A_113, %parallel_loop3A_114] {strides = array<i32>} : memref<512x64xf32, #tpu.memory_space<vmem>>, vector<16xf32>,
      tpu.vector_store %arg6[%parallel_loop3A_113, %parallel_loop3A_114], %broadcast_in_dim3A_5 {strides = array<i32>} : memref<512x64xf32, #tpu.memory_space<vmem>>, vector<16xf32>,
      %parallel_loop3A_116 = arith.index_cast %parallel_loop3A_8 : i32 to index
      %parallel_loop3A_117 = arith.constant 16 : index
      %parallel_loop3A_118 = tpu.vector_load %arg6[%parallel_loop3A_116, %parallel_loop3A_117] {strides = array<i32>} : memref<512x64xf32, #tpu.memory_space<vmem>>, vector<16xf32>,
      tpu.vector_store %arg6[%parallel_loop3A_116, %parallel_loop3A_117], %broadcast_in_dim3A_5 {strides = array<i32>} : memref<512x64xf32, #tpu.memory_space<vmem>>, vector<16xf32>,
      %parallel_loop3A_119 = arith.index_cast %parallel_loop3A_8 : i32 to index
      %parallel_loop3A_120 = arith.constant 32 : index
      %parallel_loop3A_121 = tpu.vector_load %arg6[%parallel_loop3A_119, %parallel_loop3A_120] {strides = array<i32>} : memref<512x64xf32, #tpu.memory_space<vmem>>, vector<16xf32>,
      tpu.vector_store %arg6[%parallel_loop3A_119, %parallel_loop3A_120], %broadcast_in_dim3A_5 {strides = array<i32>} : memref<512x64xf32, #tpu.memory_space<vmem>>, vector<16xf32>,
      %parallel_loop3A_122 = arith.index_cast %parallel_loop3A_8 : i32 to index
      %parallel_loop3A_123 = arith.constant 48 : index
      %parallel_loop3A_124 = tpu.vector_load %arg6[%parallel_loop3A_122, %parallel_loop3A_123] {strides = array<i32>} : memref<512x64xf32, #tpu.memory_space<vmem>>, vector<16xf32>,
      tpu.vector_store %arg6[%parallel_loop3A_122, %parallel_loop3A_123], %broadcast_in_dim3A_5 {strides = array<i32>} : memref<512x64xf32, #tpu.memory_space<vmem>>, vector<16xf32>,
      %parallel_loop3A_125 = vector.broadcast %parallel_loop3A_8 : i32 to vector<16xi32>
      tpu.vector_store_idx %arg6[%parallel_loop3A_125, %parallel_loop3A_96], %parallel_loop3A_112 masked %lt3A_4 : memref<512x64xf32, #tpu.memory_space<vmem>>[vector<16xi32>, vector<16xi32>], vector<16xf32>, vector<16xi1>
      tpu.vector_store_idx %arg7[%parallel_loop3A_125, %iota3A], %parallel_loop3A_96 masked %lt3A_4 : memref<512x8xi32, #tpu.memory_space<vmem>>[vector<16xi32>, vector<16xi32>], vector<16xi32>, vector<16xi1>
    } {sc.loop_unroll_factor = 8 : i64, sc.parallel_access}
    "tpu.region"() ({
      %run_scoped3A = tpu.sem_alloc : memref<!tpu.dma_semaphore, #tpu.memory_space<semaphore_mem>>
      %dma_start3A = arith.constant 0 : i32
      %dma_start3A_8 = tpu.memref_slice %arg3[%mul3A_2, %dma_start3A] : memref<16384x64xf32, #tpu.memory_space<hbm>> -> memref<512x64xf32, #tpu.memory_space<hbm>>
      %dma_start3A_9 = arith.constant 0 : i32
      %dma_start3A_10 = tpu.memref_slice %arg3[%mul3A_2, %dma_start3A_9] : memref<16384x64xf32, #tpu.memory_space<hbm>> -> memref<512x64xf32, #tpu.memory_space<hbm>>
      tpu.enqueue_dma source(%arg6 : memref<512x64xf32, #tpu.memory_space<vmem>>) target(%dma_start3A_10 : memref<512x64xf32, #tpu.memory_space<hbm>>) target_semaphore(%run_scoped3A : memref<!tpu.dma_semaphore, #tpu.memory_space<semaphore_mem>>)
      %dma_wait3A = arith.constant 0 : i32
      %dma_wait3A_11 = tpu.memref_slice %arg3[%mul3A_2, %dma_wait3A] : memref<16384x64xf32, #tpu.memory_space<hbm>> -> memref<512x64xf32, #tpu.memory_space<hbm>>
      %dma_wait3A_12 = arith.constant 0 : i32
      %dma_wait3A_13 = tpu.memref_slice %arg3[%mul3A_2, %dma_wait3A_12] : memref<16384x64xf32, #tpu.memory_space<hbm>> -> memref<512x64xf32, #tpu.memory_space<hbm>>
      tpu.wait_dma2 semaphore(%run_scoped3A : memref<!tpu.dma_semaphore, #tpu.memory_space<semaphore_mem>>) src(%arg6 : memref<512x64xf32, #tpu.memory_space<vmem>>) dst(%dma_wait3A_13 : memref<512x64xf32, #tpu.memory_space<hbm>>)
      tpu.yield
    }) : () -> ()
    "tpu.region"() ({
      %run_scoped3A = tpu.sem_alloc : memref<!tpu.dma_semaphore, #tpu.memory_space<semaphore_mem>>
      %dma_start3A = arith.constant 0 : i32
      %dma_start3A_8 = tpu.memref_slice %arg4[%mul3A_2, %dma_start3A] : memref<16384x8xi32, #tpu.memory_space<hbm>> -> memref<512x8xi32, #tpu.memory_space<hbm>>
      %dma_start3A_9 = arith.constant 0 : i32
      %dma_start3A_10 = tpu.memref_slice %arg4[%mul3A_2, %dma_start3A_9] : memref<16384x8xi32, #tpu.memory_space<hbm>> -> memref<512x8xi32, #tpu.memory_space<hbm>>
      tpu.enqueue_dma source(%arg7 : memref<512x8xi32, #tpu.memory_space<vmem>>) target(%dma_start3A_10 : memref<512x8xi32, #tpu.memory_space<hbm>>) target_semaphore(%run_scoped3A : memref<!tpu.dma_semaphore, #tpu.memory_space<semaphore_mem>>)
      %dma_wait3A = arith.constant 0 : i32
      %dma_wait3A_11 = tpu.memref_slice %arg4[%mul3A_2, %dma_wait3A] : memref<16384x8xi32, #tpu.memory_space<hbm>> -> memref<512x8xi32, #tpu.memory_space<hbm>>
      %dma_wait3A_12 = arith.constant 0 : i32
      %dma_wait3A_13 = tpu.memref_slice %arg4[%mul3A_2, %dma_wait3A_12] : memref<16384x8xi32, #tpu.memory_space<hbm>> -> memref<512x8xi32, #tpu.memory_space<hbm>>
      tpu.wait_dma2 semaphore(%run_scoped3A : memref<!tpu.dma_semaphore, #tpu.memory_space<semaphore_mem>>) src(%arg7 : memref<512x8xi32, #tpu.memory_space<vmem>>) dst(%dma_wait3A_13 : memref<512x8xi32, #tpu.memory_space<hbm>>)
      tpu.yield
    }) : () -> ()
    return
  }
}

module attributes {stable_mosaic.version = 14 : i64} {
  func.func @_matmul_kernel(%arg0: i32, %arg1: memref<512x4096xf32, #tpu.memory_space<vmem>>, %arg2: memref<64x4096xf32, #tpu.memory_space<vmem>>, %arg3: memref<1x64xf32, #tpu.memory_space<vmem>>, %arg4: memref<512x64xf32, #tpu.memory_space<vmem>>) attributes {dimension_semantics = [#tpu.dimension_semantics<arbitrary>], iteration_bounds = array<i64: 32>, scalar_prefetch = 0 : i64, scratch_operands = 0 : i64, tpu.core_type = #tpu.core_type<tc>, window_params = [{transform_indices = @transform_0, window_bounds = array<i64: 512, 4096>}, {pipeline_mode = #tpu.pipeline_mode<synchronous>, transform_indices = @transform_1, window_bounds = array<i64: 64, 4096>}, {pipeline_mode = #tpu.pipeline_mode<synchronous>, transform_indices = @transform_2, window_bounds = array<i64: 1, 64>}, {transform_indices = @transform_3, window_bounds = array<i64: 512, 64>}]} {
    %get3A = arith.constant 0 : index
    %get3A_0 = arith.constant 0 : index
    %get3A_1 = vector.load %arg1[%get3A, %get3A_0] : memref<512x4096xf32, #tpu.memory_space<vmem>>, vector<512x4096xf32>
    %get3A_2 = arith.constant 0 : index
    %get3A_3 = arith.constant 0 : index
    %get3A_4 = vector.load %arg2[%get3A_2, %get3A_3] : memref<64x4096xf32, #tpu.memory_space<vmem>>, vector<64x4096xf32>
    %dot_general3A = arith.constant dense<0.000000e+00> : vector<512x64xf32>
    %dot_general3A_5 = tpu.matmul %get3A_1, %get3A_4, %dot_general3A {dimension_numbers = #tpu.dot_dimension_numbers<[1], [1], [0], [0], [0, 0, 1, 0], [], []>, transpose_lhs_hint = false} : vector<512x4096xf32>, vector<64x4096xf32>, vector<512x64xf32> -> vector<512x64xf32>
    %get3A_6 = arith.constant 0 : index
    %get3A_7 = arith.constant 0 : index
    %get3A_8 = vector.load %arg3[%get3A_6, %get3A_7] : memref<1x64xf32, #tpu.memory_space<vmem>>, vector<1x64xf32>
    %add3A = vector.broadcast %get3A_8 : vector<1x64xf32> to vector<512x64xf32>
    %add3A_9 = arith.addf %dot_general3A_5, %add3A : vector<512x64xf32>
    %swap3A = arith.constant 0 : index
    %swap3A_10 = arith.constant 0 : index
    %swap3A_11 = vector.load %arg4[%swap3A, %swap3A_10] : memref<512x64xf32, #tpu.memory_space<vmem>>, vector<512x64xf32>
    tpu.vector_store %arg4[%swap3A, %swap3A_10], %add3A_9 {strides = array<i32>} : memref<512x64xf32, #tpu.memory_space<vmem>>, vector<512x64xf32>,
    return
  }
  func.func @transform_0(%arg0: i32) -> (i32, i32) {
    %c0_i32 = arith.constant 0 : i32
    %c0_i32_0 = arith.constant 0 : i32
    return %arg0, %c0_i32 : i32, i32
  }
  func.func @transform_1(%arg0: i32) -> (i32, i32) {
    %c0_i32 = arith.constant 0 : i32
    %c0_i32_0 = arith.constant 0 : i32
    %c0_i32_1 = arith.constant 0 : i32
    return %c0_i32, %c0_i32_0 : i32, i32
  }
  func.func @transform_2(%arg0: i32) -> (i32, i32) {
    %c0_i32 = arith.constant 0 : i32
    %c0_i32_0 = arith.constant 0 : i32
    %c0_i32_1 = arith.constant 0 : i32
    return %c0_i32, %c0_i32_0 : i32, i32
  }
  func.func @transform_3(%arg0: i32) -> (i32, i32) {
    %c0_i32 = arith.constant 0 : i32
    %c0_i32_0 = arith.constant 0 : i32
    return %arg0, %c0_i32 : i32, i32
  }
}

</mosaic_0001>

<sc_bundles>
// kernel: kernel.4.cloned.1.call-start
scs
__scs_entry_jumppad:
0x0: {  	(pc) =	sbr.rel $0x88, $3  }
0x1: {  	(tag) =	ssettag $0x0;
	lr =	simm.s32 $0x1  }
0x2: {  	[smem:$0x3F9E] =	sst lr;
	_ =	strace $0xD0000000  }
0x3: {  	_ = 	snop  }
0x4: {  	_ = 	snop  }
0x5: {  	_ = 	snop  }
0x6: {  	_ = 	snop  }
0x7: {  	_ = 	snop  }
__scs_overlays_trampoline_lowered:
0x8: {  	[smem:$0x3FAD] =	sst s0  }
0x9: {  	[smem:$0x3FAE] =	sst s1  }
0xa: {  	[smem:$0x3FAF] =	sst s2  }
0xb: {  	[smem:$0x3FB0] =	sst s3  }
0xc: {  	[smem:$0x3FB1] =	sst s4  }
0xd: {  	[smem:$0x3FB2] =	sst s5  }
0xe: {  	[smem:$0x3FB3] =	sst s6  }
0xf: {  	[smem:$0x3FB4] =	sst s7  }
0x10: {  	[smem:$0x3FB5] =	sst s8  }
0x11: {  	[smem:$0x3FB6] =	sst s9;
	s0 =	simm.s32 @!p0 $0x0  }
0x12: {  	s1 =	sld [smem:$0x3F9C];
	s0 =	simm.s32 @p0 $0x1  }
0x13: {  	[smem:$0x3FB7] =	sst s0;
	s0 =	simm.s32 @!p1 $0x0  }
0x14: {  	s2 =	sld [smem:$0x3F9B];
	s0 =	simm.s32 @p1 $0x1  }
0x15: {  	[smem:$0x3FB8] =	sst s0;
	s0 =	simm.s32 @!p2 $0x0  }
0x16: {  	s3 =	sld [smem:$0x3FDB];
	s0 =	simm.s32 @p2 $0x1  }
0x17: {  	s4 =	simm.s32 $0x1BF5;
	[smem:$0x3FBA] =	sst s0  }
0x18: {  	s0 =	sld [smem:$0x3F9D];
	_ =	swait.ge [sflag:s4], $0x0  }
0x19: {  	s7 =	sld [smem:$0x3F9E]  }
0x1a: {  	s8 =	sadd.s32 $0xFFFFE003, lr  }
0x1b: {  	s9 =	sadd.s32 $0xFFFFFEF7, lr;
	s5 =	simm.s32 $0xFFFFFFFF;
	p2 =	slt.u32 s8, $0xFFFFF086  }
0x1c: {  	p1 =	slt.u32 s9, $0xF7A;
	s5 =	simm.s32 @!p2 $0x0  }
0x1d: {  	s5 =	simm.s32 @p1 $0x1;
	p0 =	seq.s32 s7, s2  }
0x1e: {  	s7 =	smul.u32 @!p0 $0xF7A, s2;
	p2 =	seq.s32 @!p0 s5, $0x0  }
0x1f: {  	s9 =	smul.u32 $0xF7A, s1;
	s8 =	simm.s32 @!p0 $0x1BF5;
	p2 =	por !p2, p0  }
0x20: {  	[sflag:s8] =	ssyncset.s32 @!p0 $0xFFFFF086;
	s6 =	sadd.s32 @!p0 s3, s7;
	s7 =	simm.s32 @!p0 $0x108  }
0x21: {  	s3 =	sadd.s32 s3, s9;
	s6 =	sadd.s32 @!p0 $0x88, s6;
	s7 =	simm.s32 @p2 $0x1082  }
0x22: {  	[simem:s7], [sflag:s8] =	dma.local @!p0 [hbm:s6], $0xF7A  }
0x23: {  	s9 =	sor.u32 $0xD0000000, s2;
	s6 =	simm.s32 $0x108;
	_ =	swait.ge @!p0 [sflag:s8], $0x0  }
0x24: {  	s3 =	sadd.s32 $0x88, s3;
	s6 =	simm.s32 @!p1 $0x1082;
	[sflag:s4] =	ssyncset.s32 $0xFFFFF086  }
0x25: {  	[simem:s6], [sflag:s4] =	dma.local [hbm:s3], $0xF7A  }
0x26: {  	[smem:$0x3F9E] =	sst s1;
	(tag) =	ssettag s2;
	_ =	strace s9  }
0x27: {  	s1 =	sld [smem:$0x3FAE]  }
0x28: {  	s2 =	sld [smem:$0x3FAF]  }
0x29: {  	s4 =	sld [smem:$0x3FB1]  }
0x2a: {  	p0 =	seq.s32 s5, $0x0;
	s5 =	sld [smem:$0x3FB2]  }
0x2b: {  	s6 =	sld [smem:$0x3FB3]  }
0x2c: {  	s7 =	sld [smem:$0x3FB4]  }
0x2d: {  	s3 =	simm.s32 $0x108;
	s8 =	sld [smem:$0x3FB5]  }
0x2e: {  	s3 =	simm.s32 @!p0 $0x1082;
	s9 =	sld [smem:$0x3FB6]  }
0x2f: {  	lr =	sadd.s32 s0, s3;
	s0 =	sld [smem:$0x3FAD]  }
0x30: {  	s3 =	sld [smem:$0x3FB0]  }
0x31: {  	[smem:$0x3FB9] =	sst s10  }
0x32: {  	s10 =	sld [smem:$0x3FB7];
	_ =	sdelay $0x3  }
0x33: {  	p0 =	seq.s32 s10, $0x1;
	s10 =	sld [smem:$0x3FB9];
	_ =	sdelay $0x3  }
0x34: {  	[smem:$0x3FB9] =	sst s10  }
0x35: {  	s10 =	sld [smem:$0x3FB8];
	_ =	sdelay $0x3  }
0x36: {  	p1 =	seq.s32 s10, $0x1;
	s10 =	sld [smem:$0x3FB9];
	_ =	sdelay $0x3  }
0x37: {  	[smem:$0x3FB9] =	sst s10  }
0x38: {  	s10 =	sld [smem:$0x3FBA]  }
0x39: {  	_ = 	snop;
	(pc) =	sbr.ind lr, $3  }
0x3a: {  	_ = 	snop  }
0x3b: {  	_ = 	snop  }
0x3c: {  	p2 =	seq.s32 s10, $0x1;
	s10 =	sld [smem:$0x3FB9]  }
0x3d: {  	_ =	shalt  }
0x3e: {  	_ =	shalt  }
0x3f: {  	_ =	shalt  }
0x40: {  	_ =	shalt  }
0x41: {  	_ =	shalt  }
0x42: {  	_ =	shalt  }
0x43: {  	_ =	shalt  }
0x44: {  	_ =	shalt  }
0x45: {  	_ =	shalt  }
0x46: {  	_ =	shalt  }
0x47: {  	_ =	shalt  }
0x48: {  	_ =	shalt  }
0x49: {  	_ =	shalt  }
0x4a: {  	_ =	shalt  }
0x4b: {  	_ =	shalt  }
0x4c: {  	_ =	shalt  }
0x4d: {  	_ =	shalt  }
0x4e: {  	_ =	shalt  }
0x4f: {  	_ =	shalt  }
0x50: {  	_ =	shalt  }
0x51: {  	_ =	shalt  }
0x52: {  	_ =	shalt  }
0x53: {  	_ =	shalt  }
0x54: {  	_ =	shalt  }
0x55: {  	_ =	shalt  }
0x56: {  	_ =	shalt  }
0x57: {  	_ =	shalt  }
0x58: {  	_ =	shalt  }
0x59: {  	_ =	shalt  }
0x5a: {  	_ =	shalt  }
0x5b: {  	_ =	shalt  }
0x5c: {  	_ =	shalt  }
0x5d: {  	_ =	shalt  }
0x5e: {  	_ =	shalt  }
0x5f: {  	_ =	shalt  }
0x60: {  	_ =	shalt  }
0x61: {  	_ =	shalt  }
0x62: {  	_ =	shalt  }
0x63: {  	_ =	shalt  }
0x64: {  	_ =	shalt  }
0x65: {  	_ =	shalt  }
0x66: {  	_ =	shalt  }
0x67: {  	_ =	shalt  }
0x68: {  	_ =	shalt  }
0x69: {  	_ =	shalt  }
0x6a: {  	_ =	shalt  }
0x6b: {  	_ =	shalt  }
0x6c: {  	_ =	shalt  }
0x6d: {  	_ =	shalt  }
0x6e: {  	_ =	shalt  }
0x6f: {  	_ =	shalt  }
0x70: {  	_ =	shalt  }
0x71: {  	_ =	shalt  }
0x72: {  	_ =	shalt  }
0x73: {  	_ =	shalt  }
0x74: {  	_ =	shalt  }
0x75: {  	_ =	shalt  }
0x76: {  	_ =	shalt  }
0x77: {  	_ =	shalt  }
0x78: {  	_ =	shalt  }
0x79: {  	_ =	shalt  }
0x7a: {  	_ =	shalt  }
0x7b: {  	_ =	shalt  }
0x7c: {  	_ =	shalt  }
0x7d: {  	_ =	shalt  }
0x7e: {  	_ =	shalt  }
0x7f: {  	_ =	shalt  }
0x80: {  	_ =	shalt  }
0x81: {  	_ =	shalt  }
0x82: {  	_ =	shalt  }
0x83: {  	_ =	shalt  }
0x84: {  	_ =	shalt  }
0x85: {  	_ =	shalt  }
0x86: {  	_ =	shalt  }
0x87: {  	_ =	shalt  }
.Lfunc_end0:
.L_simem_size_0:
called_computation_lowered:
.L_overlay_start_0:
0x88: {  	s2 =	sld [smem:$0x3FD9]  }
0x89: {  	s3 =	sld [smem:$0x3FFE];
	_ =	sdelay $0x1  }
0x8a: {  	s1 =	srdreg.scid  }
0x8b: {  	s0 =	sand.u32 $0x1, s1  }
0x8c: {  	s14 =	sshll.u32 s0, $0xA;
	s2 =	sadd.s32 s3, s2  }
0x8d: {  	s2 =	sadd.s32 s2, s14  }
0x8e: {  	[smem:$0x3FC5] =	sst s2  }
0x8f: {  	_ = 	snop  }
0x90: {  	s2 =	sld [smem:$0x3FD0];
	_ =	sdelay $0x2  }
0x91: {  	s15 =	simm.s32 $0xA;
	s4 =	simm.s32 $0x10  }
0x92: {  	[smem:s4], [sflag:s15] =	dma.local [hbm:s2], $0x1  }
0x93: {  	_ =	swait.eq [sflag:s15], $0x1  }
0x94: {  	[sflag:s15] =	ssyncset.done $0x0  }
0x95: {  	s16 =	sld [smem:$0x10];
	[sflag:s15] =	ssyncadd.s32 $0xFFFFFFFF  }
0x96: {  	s17 =	sld [smem:$0x11];
	(tm) =	ssettm $0x1  }
0x97: {  	s18 =	sld [smem:$0x3FFB];
	_ =	sdelay $0x3  }
0x98: {  	_ =	strace s18  }
0x99: {  	s4 =	sld [smem:$0x3FFC];
	_ =	sdelay $0x3  }
0x9a: {  	_ =	strace s4  }
0x9b: {  	s4 =	sld [smem:$0x3FFD];
	_ =	sdelay $0x3  }
0x9c: {  	_ =	strace s4  }
0x9d: {  	_ =	strace $0x8FFFFFFF  }
0x9e: {  	s19 =	sld [smem:$0x3FDB];
	_ =	sdelay $0x1  }
0x9f: {  	s5 =	simm.s32 $_scs_section_size  }
0xa0: {  	s6 =	simm.s32 $_size__tile_overlayer_lowered;
	s7 =	simm.s32 $_tile_overlayer_lowered  }
0xa1: {  	s22 =	simm.s32 $0x1BFF;
	s21 =	sshll.u32 s7, $0x1;
	s4 =	sadd.s32 s5, s19  }
0xa2: {  	s8 =	simm.s32 $0x0;
	s20 =	sshll.u32 s6, $0x1;
	s6 =	sadd.s32 s21, s4  }
0xa3: {  	[timem:s8], [sflag:s22] =	dma.local [hbm:s6], s20  }
0xa4: {  	_ =	swait.ge [sflag:s22], s20  }
0xa5: {  	s5 =	ssub.s32 $0x0, s20;
	[sflag:s22] =	ssyncset.done $0x0  }
0xa6: {  	[sflag:s22] =	ssyncadd.s32 s5;
	_ =	sdelay $0x1  }
0xa7: {  	s23 =	simm.s32 $0x1B8B  }
0xa8: {  	_ =	swait.ge [sflag:s23], $0x1  }
0xa9: {  	[sflag:s23] =	ssyncset.done $0x0  }
0xaa: {  	s25 =	simm.s32 $0x1B8E;
	s24 =	sld [smem:$0x3FFE];
	[sflag:s23] =	ssyncadd.s32 $0xFFFFFFFF  }
0xab: {  	s26 =	simm.s32 $execute0_lowered;
	[smem:$0x3FD2] =	sst s25  }
0xac: {  	s6 =	sshll.u32 s26, $0x1;
	_ =	strace $0x80000046;
	[dreg:$0x1] =	wrdreg $0xFFFFFFFF  }
0xad: {  	s28 =	simm.s32 $_size_execute0_lowered;
	s4 =	sadd.s32 s4, s6;
	[dreg:$0x0] =	wrdreg $0x0  }
0xae: {  	s6 =	sshll.u32 s28, $0x1;
	[dreg:$0x2] =	wrdreg s4  }
0xaf: {  	[dreg:$0x3] =	wrdreg s6  }
0xb0: {  	[dreg:$0x4] =	wrdreg $0xC0  }
0xb1: {  	_ =	task [dreg:s8], $0x5FFFF  }
0xb2: {  	[dreg:$0x1] =	wrdreg $0xFFFFFFFF  }
0xb3: {  	[dreg:$0x0] =	wrdreg $0x60  }
0xb4: {  	[dreg:$0x2] =	wrdreg s16  }
0xb5: {  	[dreg:$0x3] =	wrdreg s24  }
0xb6: {  	[dreg:$0x4] =	wrdreg s17  }
0xb7: {  	[dreg:$0x5] =	wrdreg $0x9  }
0xb8: {  	_ =	task.clear_ibuf [dreg:s8], $0x6FFFF;
	_ =	strace $0x90000046  }
0xb9: {  	s29 =	simm.s32 $0x9;
	_ =	strace $0x80000048  }
0xba: {  	_ =	swait.ge [sflag:s29], $0x1  }
0xbb: {  	[sflag:s29] =	ssyncadd.s32 $0xFFFFFFFF  }
0xbc: {  	_ =	strace $0x90000048  }
0xbd: {  	_ =	sfence  }
0xbe: {  	s30 =	sld [smem:$0x0];
	_ =	sdelay $0x2  }
0xbf: {  	s31 =	sshll.u32 s1, $0xD;
	s1 =	sshrl.u32 s1, $0x2  }
0xc0: {  	s3 =	sand.u32 $0x4000, s31;
	s1 =	sadd.s32 s1, s30  }
0xc1: {  	s0 =	sor.u32 s3, s0;
	s1 =	sshll.u32 s1, $0x11  }
0xc2: {  	s0 =	sor.u32 s1, s0  }
0xc3: {  	s0 =	sadd.s32 $0x8F2B, s0  }
0xc4: {  	[sflag:s0] =	ssyncadd.remote.s32 $0x1  }
0xc5: {  	_ =	sfence.sel $0xFFFF  }
0xc6: {  	[dreg:$0x0] =	wrdreg $0xFFFFFFFF;
	(pc) =	sbr.abs _section_cstart, $3  }
0xc7: {  	[dreg:$0x1] =	wrdreg $0xFFFFFFFF  }
0xc8: {  	_ =	task.clear_ibuf [dreg:s8], $0x2FFFF;
	_ =	strace $0x9FFFFFFF  }
0xc9: {  	(tm) =	ssettm $0x7FFFFFFF  }
tec
execute0_lowered:
.L_overlay_start_1:
0x0: {  	(tag) =	ssettag $0x1  }
0x1: {  	s3 =	rddreg [dreg:$0x0]  }
0x2: {  	s1 =	srdreg.scid;
	s4 =	rddreg [dreg:$0x1]  }
0x3: {  	s0 =	stileid.u32;
	s6 =	rddreg [dreg:$0x2]  }
0x4: {  	s2 =	simm.s32 $0x0;
	s10 =	simm.s32 $0x0;
	s5 =	sand.u32 $0x1, s1  }
0x5: {  	s7 =	sshll.u32 s0, $0xA;
	s1 =	rddreg [dreg:$0x3];
	s8 =	sshll.u32 s5, $0x9  }
0x6: {  	[smem:$0x7FF] =	sst s2;
	s5 =	ssub.s32 $0x2, s5;
	s7 =	sor.u32 s8, s7  }
0x7: {  	v0 =	vlaneseq.u32;
	_ =	strace $0x80000047;
	s9 =	sshrl.u32 s5, $0x1;
	s8 =	sshll.u32 s7, $0x3  }
0x8: {  	v4 =	vmul.u32 $0xFFFFFFFF, v0;
	s9 =	ssub.s32 s5, s9;
	s5 =	sadd.s32 s6, s7;
	s7 =	simm.s32 $0x1  }
0x9: {  	vm0 =	vmmov $0xff;
	v5 =	vimm.f32 $0.0e+00;
	v1 =	vor.u32 $0x10, v0;
	s4 =	sadd.s32 s8, s4;
	s3 =	sadd.s32 s3, s8;
	s6 =	smax.u32 s9, $0x1  }
0xa: {  	v2 =	vor.u32 $0x20, v0;
	v3 =	vor.u32 $0x30, v0;
	v4 =	vadd.s32 $0xF, v4;
	s8 =	simm.s32 $0x8000;
	s9 =	simm.s32 $0x10000;
	s4 =	sadd.s32 $0xE00, s4  }
.LBB2_1:
0xb: {  	[tilespmem:s2], [sflag:$0x1] =	stream.linear.gather [hbm4b:s3+s2], $0x8000, $0x38;
	[tilespmem:$0x11000] =	vst v63  }
0xc: {  	_ =	swait.ge [sflag:s7], $0x8000  }
0xd: {  	s11 =	simm.s32 $0x8100;
	[sflag:s7] =	ssyncset.done $0x0  }
0xe: {  	s12 =	simm.s32 $0x100;
	s13 =	simm.s32 $0x0;
	[sflag:s7] =	ssyncadd.s32 $0xFFFF8000  }
.LBB2_2:
0xf: {  	v6 =	vld [tilespmem:s12+$0xFFFFFF00]  }
0x10: {  	v7 =	vld [tilespmem:s12+$0xFFFFFF10]  }
0x11: {  	v8 =	vld [tilespmem:s12+$0xFFFFFF20]  }
0x12: {  	v9 =	vld [tilespmem:s12+$0xFFFFFF30];
	_ =	sdelay $0x1  }
0x13: {  	(xrf1) =	vsort.dscd.msk.f32 $0xffff, v6, v0  }
0x14: {  	(xrf1) =	vsort.dscd.msk.f32 $0xffff, v7, v1  }
0x15: {  	(xrf1) =	vsort.dscd.msk.f32 $0xffff, v8, v2  }
0x16: {  	(xrf1) =	vsort.dscd.msk.f32 $0xffff, v9, v3;
	_ =	sdelay $0xa  }
0x17: {  	v6, v7, _ =	vpop (xrf1)  }
0x18: {  	v62, v63, _ =	vpop (xrf1)  }
0x19: {  	v10, v11, _ =	vpop (xrf1)  }
0x1a: {  	v8 =	vperm.xlane v62, v4;
	v12, v13, _ =	vpop (xrf1)  }
0x1b: {  	v9 =	vperm.xlane v63, v4;
	v12 =	vperm.xlane v12, v4  }
0x1c: {  	vm1 =	vge.f32 v6, v8;
	v13 =	vperm.xlane v13, v4  }
0x1d: {  	v6 =	vsel vm1, v6, v8;
	v7 =	vsel vm1, v7, v9;
	vm1 =	vge.f32 v10, v12  }
0x1e: {  	(xrf1) =	vsort.dscd.msk.f32 $0xffff, v6, v7;
	v6 =	vsel vm1, v10, v12;
	v7 =	vsel vm1, v11, v13  }
0x1f: {  	(xrf1) =	vsort.dscd.msk.f32 $0xffff, v6, v7;
	_ =	sdelay $0xc  }
0x20: {  	v6, v7, _ =	vpop (xrf1)  }
0x21: {  	v15, v16, _ =	vpop (xrf1)  }
0x22: {  	v17 =	vld [tilespmem:s12+$0xFFFFFF40];
	v8 =	vperm.xlane v15, v4  }
0x23: {  	v18 =	vld [tilespmem:s12+$0xFFFFFF50];
	v9 =	vperm.xlane v16, v4  }
0x24: {  	v19 =	vld [tilespmem:s12+$0xFFFFFF60];
	vm1 =	vge.f32 v6, v8  }
0x25: {  	v20 =	vld [tilespmem:s12+$0xFFFFFF70];
	v6 =	vsel vm1, v6, v8;
	v7 =	vsel vm1, v7, v9  }
0x26: {  	(xrf1) =	vsort.dscd.msk.f32 $0xffff, v6, v7  }
0x27: {  	(xrf1) =	vsort.dscd.msk.f32 $0xffff, v17, v0  }
0x28: {  	(xrf1) =	vsort.dscd.msk.f32 $0xffff, v18, v1  }
0x29: {  	(xrf1) =	vsort.dscd.msk.f32 $0xffff, v19, v2  }
0x2a: {  	(xrf1) =	vsort.dscd.msk.f32 $0xffff, v20, v3;
	_ =	sdelay $0x9  }
0x2b: {  	v21, v6, _ =	vpop (xrf1)  }
0x2c: {  	v7, v22, _ =	vpop (xrf1)  }
0x2d: {  	v23, v11, _ =	vpop (xrf1)  }
0x2e: {  	v12, v24, _ =	vpop (xrf1)  }
0x2f: {  	v10 =	vperm.xlane v23, v4;
	v14, v15, _ =	vpop (xrf1)  }
0x30: {  	v11 =	vperm.xlane v11, v4;
	v14 =	vperm.xlane v14, v4  }
0x31: {  	vm1 =	vge.f32 v7, v10;
	v15 =	vperm.xlane v15, v4  }
0x32: {  	v7 =	vsel vm1, v7, v10;
	v8 =	vsel vm1, v22, v11;
	vm1 =	vge.f32 v12, v14  }
0x33: {  	(xrf1) =	vsort.dscd.msk.f32 $0xffff, v7, v8;
	v7 =	vsel vm1, v12, v14;
	v25 =	vsel vm1, v24, v15  }
0x34: {  	(xrf1) =	vsort.dscd.msk.f32 $0xffff, v7, v25;
	_ =	sdelay $0xc  }
0x35: {  	v7, v8, _ =	vpop (xrf1)  }
0x36: {  	v26, v27, _ =	vpop (xrf1)  }
0x37: {  	v28 =	vld [tilespmem:s12+$0xFFFFFF80];
	v10 =	vperm.xlane v26, v4  }
0x38: {  	v29 =	vld [tilespmem:s12+$0xFFFFFF90];
	v11 =	vperm.xlane v27, v4  }
0x39: {  	v30 =	vld [tilespmem:s12+$0xFFFFFFA0];
	vm1 =	vge.f32 v7, v10  }
0x3a: {  	v31 =	vld [tilespmem:s12+$0xFFFFFFB0];
	v7 =	vsel vm1, v7, v10;
	v8 =	vsel vm1, v8, v11  }
0x3b: {  	(xrf1) =	vsort.dscd.msk.f32 $0xffff, v7, v8  }
0x3c: {  	(xrf1) =	vsort.dscd.msk.f32 $0xffff, v28, v0  }
0x3d: {  	(xrf1) =	vsort.dscd.msk.f32 $0xffff, v29, v1  }
0x3e: {  	(xrf1) =	vsort.dscd.msk.f32 $0xffff, v30, v2  }
0x3f: {  	(xrf1) =	vsort.dscd.msk.f32 $0xffff, v31, v3;
	_ =	sdelay $0x9  }
0x40: {  	v32, v7, _ =	vpop (xrf1)  }
0x41: {  	v33, v11, _ =	vpop (xrf1)  }
0x42: {  	v34, v13, _ =	vpop (xrf1)  }
0x43: {  	v14, v35, _ =	vpop (xrf1)  }
0x44: {  	v12 =	vperm.xlane v34, v4;
	v16, v17, _ =	vpop (xrf1)  }
0x45: {  	v13 =	vperm.xlane v13, v4;
	v16 =	vperm.xlane v16, v4  }
0x46: {  	vm1 =	vge.f32 v33, v12;
	v17 =	vperm.xlane v17, v4  }
0x47: {  	v8 =	vsel vm1, v33, v12;
	v11 =	vsel vm1, v11, v13;
	vm1 =	vge.f32 v14, v16  }
0x48: {  	(xrf1) =	vsort.dscd.msk.f32 $0xffff, v8, v11;
	v36 =	vsel vm1, v14, v16;
	v37 =	vsel vm1, v35, v17  }
0x49: {  	(xrf1) =	vsort.dscd.msk.f32 $0xffff, v36, v37;
	_ =	sdelay $0xc  }
0x4a: {  	v8, v11, _ =	vpop (xrf1)  }
0x4b: {  	v38, v39, _ =	vpop (xrf1)  }
0x4c: {  	v40 =	vld [tilespmem:s12+$0xFFFFFFC0];
	v12 =	vperm.xlane v38, v4  }
0x4d: {  	v41 =	vld [tilespmem:s12+$0xFFFFFFD0];
	v13 =	vperm.xlane v39, v4  }
0x4e: {  	v42 =	vld [tilespmem:s12+$0xFFFFFFE0];
	vm1 =	vge.f32 v8, v12  }
0x4f: {  	v43 =	vld [tilespmem:s12+$0xFFFFFFF0];
	v8 =	vsel vm1, v8, v12;
	v11 =	vsel vm1, v11, v13  }
0x50: {  	(xrf1) =	vsort.dscd.msk.f32 $0xffff, v8, v11  }
0x51: {  	(xrf1) =	vsort.dscd.msk.f32 $0xffff, v40, v0  }
0x52: {  	(xrf1) =	vsort.dscd.msk.f32 $0xffff, v41, v1  }
0x53: {  	(xrf1) =	vsort.dscd.msk.f32 $0xffff, v42, v2  }
0x54: {  	(xrf1) =	vsort.dscd.msk.f32 $0xffff, v43, v3;
	_ =	sdelay $0x9  }
0x55: {  	v44, v8, _ =	vpop (xrf1)  }
0x56: {  	v45, v13, _ =	vpop (xrf1)  }
0x57: {  	v46, v15, _ =	vpop (xrf1)  }
0x58: {  	v16, v47, _ =	vpop (xrf1)  }
0x59: {  	v14 =	vperm.xlane v46, v4;
	v18, v19, _ =	vpop (xrf1)  }
0x5a: {  	v15 =	vperm.xlane v15, v4;
	v18 =	vperm.xlane v18, v4  }
0x5b: {  	vm1 =	vge.f32 v45, v14;
	v19 =	vperm.xlane v19, v4  }
0x5c: {  	v11 =	vsel vm1, v45, v14;
	v13 =	vsel vm1, v13, v15;
	vm1 =	vge.f32 v16, v18  }
0x5d: {  	(xrf1) =	vsort.dscd.msk.f32 $0xffff, v11, v13;
	v48 =	vsel vm1, v16, v18;
	v49 =	vsel vm1, v47, v19  }
0x5e: {  	(xrf1) =	vsort.dscd.msk.f32 $0xffff, v48, v49;
	_ =	sdelay $0x9  }
0x5f: {  	(xrf0) =	vmax.scan.msk.f32 $0xffff, v21;
	_ =	sdelay $0x2  }
0x60: {  	v11, v13, _ =	vpop (xrf1)  }
0x61: {  	v50, v51, _ =	vpop (xrf1)  }
0x62: {  	v52 =	vld [tilespmem:s12+$0x0];
	v14 =	vperm.xlane v50, v4  }
0x63: {  	v54 =	vld [tilespmem:s12+$0x10];
	v53, _, _ =	vpop (xrf0);
	v15 =	vperm.xlane v51, v4  }
0x64: {  	v55 =	vld [tilespmem:s12+$0x20];
	v17 =	vbroadcast v53, $0xF;
	vm1 =	vge.f32 v11, v14  }
0x65: {  	v56 =	vld [tilespmem:s12+$0x30];
	v11 =	vsel vm1, v11, v14;
	v13 =	vsel vm1, v13, v15  }
0x66: {  	v9 =	vsub.f32 v21, v17;
	(xrf1) =	vsort.dscd.msk.f32 $0xffff, v11, v13  }
0x67: {  	(xrf1) =	vsort.dscd.msk.f32 $0xffff, v52, v0  }
0x68: {  	v9 =	vmul.f32 $1.442695020e+00, v9;
	(xrf1) =	vsort.dscd.msk.f32 $0xffff, v54, v1  }
0x69: {  	(xrf1) =	vsort.dscd.msk.f32 $0xffff, v55, v2  }
0x6a: {  	(erf) = vpow2.f32 v9;
	(xrf1) =	vsort.dscd.msk.f32 $0xffff, v56, v3;
	_ =	sdelay $0x8  }
0x6b: {  	v57 =	vpop (erf)  }
0x6c: {  	v58, v9, _ =	vpop (xrf1)  }
0x6d: {  	v11 =	vnsel vm0, $0x0, v57;
	v59, v60, _ =	vpop (xrf1)  }
0x6e: {  	(xrf2) =	vadd.scan.msk.f32 $0xffff, v11;
	v62, v61, _ =	vpop (xrf1)  }
0x6f: {  	(xrf0) =	vmax.scan.msk.f32 $0xffff, v32;
	v63, v19, _ =	vpop (xrf1)  }
0x70: {  	v16 =	vperm.xlane v62, v4;
	v20, v21, _ =	vpop (xrf1)  }
0x71: {  	v17 =	vperm.xlane v61, v4;
	v20 =	vperm.xlane v20, v4  }
0x72: {  	vm1 =	vge.f32 v59, v16;
	v21 =	vperm.xlane v21, v4  }
0x73: {  	v13 =	vsel vm1, v59, v16;
	v14 =	vsel vm1, v60, v17;
	vm1 =	vge.f32 v63, v20  }
0x74: {  	(xrf1) =	vsort.dscd.msk.f32 $0xffff, v13, v14;
	v20 =	vsel vm1, v63, v20;
	v21 =	vsel vm1, v19, v21  }
0x75: {  	v22, _, _ =	vpop (xrf0);
	(xrf1) =	vsort.dscd.msk.f32 $0xffff, v20, v21  }
0x76: {  	v23 =	vbroadcast v22, $0xF;
	_ =	sdelay $0x1  }
0x77: {  	v10 =	vsub.f32 v32, v23;
	v24, _, _ =	vpop (xrf2)  }
0x78: {  	v25 =	vbroadcast v24, $0xF  }
0x79: {  	v10 =	vmul.f32 $1.442695020e+00, v10  }
0x7a: {  	(erf) = vrcp.f32 v25  }
0x7b: {  	(erf) = vpow2.f32 v10;
	_ =	sdelay $0x5  }
0x7c: {  	v27, v26, _ =	vpop (xrf1)  }
0x7d: {  	v29, v28, _ =	vpop (xrf1)  }
0x7e: {  	v31 =	vld [tilespmem:s12+$0x40];
	v14 =	vpop (erf);
	v30 =	vperm.xlane v29, v4  }
0x7f: {  	v33 =	vld [tilespmem:s12+$0x50];
	v32 =	vpop (erf);
	v17 =	vperm.xlane v28, v4  }
0x80: {  	v34 =	vld [tilespmem:s12+$0x60];
	v13 =	vnsel vm0, $0x0, v32;
	vm1 =	vge.f32 v27, v30  }
0x81: {  	v35 =	vld [tilespmem:s12+$0x70];
	(xrf2) =	vadd.scan.msk.f32 $0xffff, v13;
	v10 =	vsel vm1, v27, v30;
	v16 =	vsel vm1, v26, v17  }
0x82: {  	(xrf1) =	vsort.dscd.msk.f32 $0xffff, v10, v16  }
0x83: {  	(xrf1) =	vsort.dscd.msk.f32 $0xffff, v31, v0  }
0x84: {  	(xrf1) =	vsort.dscd.msk.f32 $0xffff, v33, v1  }
0x85: {  	(xrf1) =	vsort.dscd.msk.f32 $0xffff, v34, v2  }
0x86: {  	(xrf1) =	vsort.dscd.msk.f32 $0xffff, v35, v3;
	_ =	sdelay $0x1  }
0x87: {  	(xrf0) =	vmax.scan.msk.f32 $0xffff, v44;
	_ =	sdelay $0x5  }
0x88: {  	v37, _, _ =	vpop (xrf0)  }
0x89: {  	v38 =	vbroadcast v37, $0xF;
	v36, _, _ =	vpop (xrf2)  }
0x8a: {  	v39, v10, _ =	vpop (xrf1)  }
0x8b: {  	v12 =	vsub.f32 v44, v38;
	v40, v19, _ =	vpop (xrf1)  }
0x8c: {  	v16 =	vbroadcast v36, $0xF;
	v42, v41, _ =	vpop (xrf1)  }
0x8d: {  	v12 =	vmul.f32 $1.442695020e+00, v12;
	v43, v22, _ =	vpop (xrf1)  }
0x8e: {  	(erf) = vrcp.f32 v16;
	v17 =	vperm.xlane v42, v4;
	v23, v24, _ =	vpop (xrf1)  }
0x8f: {  	v21 =	vperm.xlane v41, v4;
	v23 =	vperm.xlane v23, v4  }
0x90: {  	(erf) = vpow2.f32 v12;
	vm1 =	vge.f32 v40, v17;
	v44 =	vperm.xlane v24, v4  }
0x91: {  	v17 =	vsel vm1, v40, v17;
	v45 =	vsel vm1, v19, v21;
	vm1 =	vge.f32 v43, v23  }
0x92: {  	(xrf1) =	vsort.dscd.msk.f32 $0xffff, v17, v45;
	v16 =	vsel vm1, v43, v23;
	v12 =	vsel vm1, v22, v44  }
0x93: {  	(xrf1) =	vsort.dscd.msk.f32 $0xffff, v16, v12;
	_ =	sdelay $0x5  }
0x94: {  	v18 =	vpop (erf)  }
0x95: {  	v46 =	vpop (erf)  }
0x96: {  	v16 =	vnsel vm0, $0x0, v46  }
0x97: {  	(xrf2) =	vadd.scan.msk.f32 $0xffff, v16  }
0x98: {  	(xrf0) =	vmax.scan.msk.f32 $0xffff, v58;
	_ =	sdelay $0x2  }
0x99: {  	v47, v17, _ =	vpop (xrf1)  }
0x9a: {  	v19, v21, _ =	vpop (xrf1)  }
0x9b: {  	v48 =	vld [tilespmem:s12+$0x80];
	v19 =	vperm.xlane v19, v4  }
0x9c: {  	v50 =	vld [tilespmem:s12+$0x90];
	v49, _, _ =	vpop (xrf0);
	v21 =	vperm.xlane v21, v4  }
0x9d: {  	v25 =	vld [tilespmem:s12+$0xA0];
	v23 =	vbroadcast v49, $0xF;
	vm1 =	vge.f32 v47, v19  }
0x9e: {  	v51 =	vld [tilespmem:s12+$0xB0];
	v12 =	vsel vm1, v47, v19;
	v17 =	vsel vm1, v17, v21  }
0x9f: {  	v15 =	vsub.f32 v58, v23;
	v52, _, _ =	vpop (xrf2);
	(xrf1) =	vsort.dscd.msk.f32 $0xffff, v12, v17  }
0xa0: {  	v53 =	vbroadcast v52, $0xF;
	(xrf1) =	vsort.dscd.msk.f32 $0xffff, v48, v0  }
0xa1: {  	v15 =	vmul.f32 $1.442695020e+00, v15;
	(xrf1) =	vsort.dscd.msk.f32 $0xffff, v50, v1  }
0xa2: {  	(erf) = vrcp.f32 v53;
	(xrf1) =	vsort.dscd.msk.f32 $0xffff, v25, v2  }
0xa3: {  	(erf) = vpow2.f32 v15;
	(xrf1) =	vsort.dscd.msk.f32 $0xffff, v51, v3;
	_ =	sdelay $0x7  }
0xa4: {  	v19 =	vpop (erf)  }
0xa5: {  	v15 =	vpop (erf)  }
0xa6: {  	v21, v12, _ =	vpop (xrf1)  }
0xa7: {  	v22, v54, _ =	vpop (xrf1)  }
0xa8: {  	v24, v55, _ =	vpop (xrf1)  }
0xa9: {  	v17 =	vnsel vm0, $0x0, v15;
	v26, v27, _ =	vpop (xrf1)  }
0xaa: {  	(xrf2) =	vadd.scan.msk.f32 $0xffff, v17;
	v24 =	vperm.xlane v24, v4;
	v56, v28, _ =	vpop (xrf1)  }
0xab: {  	(xrf0) =	vmax.scan.msk.f32 $0xffff, v39;
	v25 =	vperm.xlane v55, v4;
	v15 =	vperm.xlane v56, v4  }
0xac: {  	vm1 =	vge.f32 v22, v24;
	v28 =	vperm.xlane v28, v4  }
0xad: {  	v22 =	vsel vm1, v22, v24;
	v23 =	vsel vm1, v54, v25;
	vm1 =	vge.f32 v26, v15  }
0xae: {  	(xrf1) =	vsort.dscd.msk.f32 $0xffff, v22, v23;
	v15 =	vsel vm1, v26, v15;
	v57 =	vsel vm1, v27, v28  }
0xaf: {  	(xrf1) =	vsort.dscd.msk.f32 $0xffff, v15, v57;
	_ =	sdelay $0x1  }
0xb0: {  	v58, _, _ =	vpop (xrf0)  }
0xb1: {  	v15 =	vbroadcast v58, $0xF;
	_ =	sdelay $0x1  }
0xb2: {  	v59, _, _ =	vpop (xrf2);
	v15 =	vsub.f32 v39, v15  }
0xb3: {  	v60 =	vbroadcast v59, $0xF  }
0xb4: {  	v15 =	vmul.f32 $1.442695020e+00, v15  }
0xb5: {  	(erf) = vrcp.f32 v60  }
0xb6: {  	(erf) = vpow2.f32 v15;
	_ =	sdelay $0x3  }
0xb7: {  	v62, v61, _ =	vpop (xrf1)  }
0xb8: {  	v27, v63, _ =	vpop (xrf1)  }
0xb9: {  	v28 =	vperm.xlane v27, v4  }
0xba: {  	v29 =	vld [tilespmem:s12+$0xC0];
	v23 =	vperm.xlane v63, v4  }
0xbb: {  	v30 =	vld [tilespmem:s12+$0xD0];
	v22 =	vpop (erf);
	vm1 =	vge.f32 v62, v28  }
0xbc: {  	v32 =	vld [tilespmem:s12+$0xE0];
	v31 =	vpop (erf);
	v15 =	vsel vm1, v62, v28;
	v20 =	vsel vm1, v61, v23  }
0xbd: {  	v33 =	vld [tilespmem:s12+$0xF0];
	(xrf1) =	vsort.dscd.msk.f32 $0xffff, v15, v20;
	v20 =	vnsel vm0, $0x0, v31  }
0xbe: {  	(xrf2) =	vadd.scan.msk.f32 $0xffff, v20  }
0xbf: {  	(xrf1) =	vsort.dscd.msk.f32 $0xffff, v29, v0  }
0xc0: {  	(xrf1) =	vsort.dscd.msk.f32 $0xffff, v30, v1  }
0xc1: {  	(xrf1) =	vsort.dscd.msk.f32 $0xffff, v32, v2  }
0xc2: {  	(xrf1) =	vsort.dscd.msk.f32 $0xffff, v33, v3;
	_ =	sdelay $0x1  }
0xc3: {  	(xrf0) =	vmax.scan.msk.f32 $0xffff, v21;
	_ =	sdelay $0x5  }
0xc4: {  	v35, _, _ =	vpop (xrf0)  }
0xc5: {  	v23 =	vbroadcast v35, $0xF;
	v36, _, _ =	vpop (xrf2)  }
0xc6: {  	v34, v15, _ =	vpop (xrf1)  }
0xc7: {  	v21 =	vsub.f32 v21, v23;
	v37, v38, _ =	vpop (xrf1)  }
0xc8: {  	v25 =	vbroadcast v36, $0xF;
	v39, v29, _ =	vpop (xrf1)  }
0xc9: {  	v21 =	vmul.f32 $1.442695020e+00, v21;
	v40, v41, _ =	vpop (xrf1)  }
0xca: {  	(erf) = vrcp.f32 v25;
	v28 =	vperm.xlane v39, v4;
	v30, v31, _ =	vpop (xrf1)  }
0xcb: {  	v29 =	vperm.xlane v29, v4;
	v30 =	vperm.xlane v30, v4  }
0xcc: {  	(erf) = vpow2.f32 v21;
	vm1 =	vge.f32 v37, v28;
	v42 =	vperm.xlane v31, v4  }
0xcd: {  	v26 =	vsel vm1, v37, v28;
	v27 =	vsel vm1, v38, v29;
	vm1 =	vge.f32 v40, v30  }
0xce: {  	(xrf1) =	vsort.dscd.msk.f32 $0xffff, v26, v27;
	v23 =	vsel vm1, v40, v30;
	v21 =	vsel vm1, v41, v42  }
0xcf: {  	(xrf1) =	vsort.dscd.msk.f32 $0xffff, v23, v21;
	_ =	sdelay $0x4  }
0xd0: {  	v25 =	vpop (erf)  }
0xd1: {  	v43 =	vpop (erf)  }
0xd2: {  	v23 =	vnsel vm0, $0x0, v43  }
0xd3: {  	(xrf2) =	vadd.scan.msk.f32 $0xffff, v23  }
0xd4: {  	(xrf0) =	vmax.scan.msk.f32 $0xffff, v34;
	_ =	sdelay $0x3  }
0xd5: {  	v44, v26, _ =	vpop (xrf1)  }
0xd6: {  	v46, v45, _ =	vpop (xrf1)  }
0xd7: {  	v47, _, _ =	vpop (xrf0);
	v27 =	vperm.xlane v46, v4  }
0xd8: {  	v29 =	vbroadcast v47, $0xF;
	v28 =	vperm.xlane v45, v4  }
0xd9: {  	vm1 =	vge.f32 v44, v27  }
0xda: {  	v24 =	vsub.f32 v34, v29;
	v48, _, _ =	vpop (xrf2);
	v21 =	vsel vm1, v44, v27;
	v26 =	vsel vm1, v26, v28  }
0xdb: {  	v49 =	vbroadcast v48, $0xF;
	(xrf1) =	vsort.dscd.msk.f32 $0xffff, v21, v26  }
0xdc: {  	v50 =	vmul.f32 $1.442695020e+00, v24  }
0xdd: {  	(erf) = vrcp.f32 v49  }
0xde: {  	(erf) = vpow2.f32 v50;
	_ =	sdelay $0x7  }
0xdf: {  	v24 =	vpop (erf)  }
0xe0: {  	v21 =	vpop (erf)  }
0xe1: {  	v26 =	vnsel vm0, $0x0, v21  }
0xe2: {  	v51 =	vmov s13;
	(xrf2) =	vadd.scan.msk.f32 $0xffff, v26;
	v52, v21, _ =	vpop (xrf1)  }
0xe3: {  	v53 =	vand.u32 $0xFFFFFFF8, v6;
	v54 =	vshll.u32 v51, $0x6;
	(xrf0) =	vmax.scan.msk.f32 $0xffff, v52  }
0xe4: {  	v55 =	vand.u32 $0x7, v6;
	v29 =	vadd.s32 v54, v53  }
0xe5: {  	v29 =	vor.u32 v55, v29;
	v27 =	vshll.u32 v51, $0x3  }
0xe6: {  	[tilespmem:s11+$0xFFFFFF00] =	vst v5;
	v27 =	vor.u32 v0, v27  }
0xe7: {  	[tilespmem:s11+$0xFFFFFF10] =	vst v5;
	s14 =	sadd.s32 $0x1, s13  }
0xe8: {  	[tilespmem:s11+$0xFFFFFF20] =	vst v5;
	v11 =	vmul.f32 v14, v11;
	v56 =	vmov s14  }
0xe9: {  	[tilespmem:s11+$0xFFFFFF30] =	vst v5;
	v57 =	vand.u32 $0xFFFFFFF8, v7;
	v58 =	vshll.u32 v56, $0x6;
	v32, _, _ =	vpop (xrf0)  }
0xea: {  	v60 =	vand.u32 $0x7, v7;
	v59 =	vadd.s32 v58, v57;
	[tilespmem:v29+s8+$0x0] =	vst.idx.msk $0xff, v11;
	v61 =	vbroadcast v32, $0xF  }
0xeb: {  	v62 =	vshll.u32 v56, $0x3;
	[tilespmem:v27+s9+$0x0] =	vst.idx.msk $0xff, v6;
	v6 =	vor.u32 v60, v59  }
0xec: {  	[tilespmem:s11+$0xFFFFFF40] =	vst v5;
	v11 =	vadd.s32 v0, v62;
	v63, _, _ =	vpop (xrf2);
	v31 =	vsub.f32 v52, v61  }
0xed: {  	[tilespmem:s11+$0xFFFFFF50] =	vst v5;
	s25 =	sadd.s32 $0x2, s13;
	v14 =	vbroadcast v63, $0xF  }
0xee: {  	[tilespmem:s11+$0xFFFFFF60] =	vst v5;
	v13 =	vmul.f32 v18, v13;
	v32 =	vmov s25;
	v27 =	vmul.f32 $1.442695020e+00, v31  }
0xef: {  	[tilespmem:s11+$0xFFFFFF70] =	vst v5;
	v33 =	vand.u32 $0xFFFFFFF8, v8;
	(erf) = vrcp.f32 v14;
	v34 =	vshll.u32 v32, $0x6  }
0xf0: {  	v35 =	vand.u32 $0x7, v8;
	[tilespmem:v6+s8+$0x0] =	vst.idx.msk $0xff, v13;
	v6 =	vadd.s32 v34, v33;
	(erf) = vpow2.f32 v27  }
0xf1: {  	[tilespmem:v11+s9+$0x0] =	vst.idx.msk $0xff, v7;
	v7 =	vshll.u32 v32, $0x3;
	v6 =	vor.u32 v35, v6  }
0xf2: {  	[tilespmem:s11+$0xFFFFFF80] =	vst v5;
	v7 =	vor.u32 v0, v7  }
0xf3: {  	[tilespmem:s11+$0xFFFFFF90] =	vst v5;
	s26 =	sadd.s32 $0x3, s13  }
0xf4: {  	[tilespmem:s11+$0xFFFFFFA0] =	vst v5;
	v36 =	vmul.f32 v19, v16;
	v37 =	vmov s26  }
0xf5: {  	[tilespmem:s11+$0xFFFFFFB0] =	vst v5;
	v38 =	vand.u32 $0xFFFFFFF8, v9;
	v39 =	vshll.u32 v37, $0x6  }
0xf6: {  	v40 =	vadd.s32 v39, v38;
	[tilespmem:v6+s8+$0x0] =	vst.idx.msk $0xff, v36;
	v6 =	vand.u32 $0x7, v9  }
0xf7: {  	[tilespmem:v7+s9+$0x0] =	vst.idx.msk $0xff, v8;
	v6 =	vor.u32 v6, v40;
	v7 =	vshll.u32 v37, $0x3  }
0xf8: {  	[tilespmem:s11+$0xFFFFFFC0] =	vst v5;
	v41 =	vpop (erf);
	v7 =	vadd.s32 v0, v7  }
0xf9: {  	[tilespmem:s11+$0xFFFFFFD0] =	vst v5;
	s28 =	sadd.s32 $0x4, s13;
	v42 =	vpop (erf)  }
0xfa: {  	[tilespmem:s11+$0xFFFFFFE0] =	vst v5;
	v43 =	vmul.f32 v22, v17;
	v44 =	vmov s28;
	v11 =	vnsel vm0, $0x0, v42  }
0xfb: {  	[tilespmem:s11+$0xFFFFFFF0] =	vst v5;
	v45 =	vand.u32 $0xFFFFFFF8, v10;
	v46 =	vshll.u32 v44, $0x6;
	(xrf2) =	vadd.scan.msk.f32 $0xffff, v11  }
0xfc: {  	v47 =	vand.u32 $0x7, v10;
	[tilespmem:v6+s8+$0x0] =	vst.idx.msk $0xff, v43;
	v6 =	vadd.s32 v46, v45  }
0xfd: {  	[tilespmem:v7+s9+$0x0] =	vst.idx.msk $0xff, v9;
	v6 =	vor.u32 v47, v6;
	v7 =	vshll.u32 v44, $0x3  }
0xfe: {  	[tilespmem:s11+$0x0] =	vst v5;
	v7 =	vor.u32 v0, v7  }
0xff: {  	[tilespmem:s11+$0x10] =	vst v5;
	s29 =	sadd.s32 $0x5, s13  }
0x100: {  	[tilespmem:s11+$0x20] =	vst v5;
	v48 =	vmul.f32 v25, v20;
	v49 =	vmov s29  }
0x101: {  	[tilespmem:s11+$0x30] =	vst v5;
	v50 =	vand.u32 $0xFFFFFFF8, v12;
	v51 =	vshll.u32 v49, $0x6  }
0x102: {  	v52 =	vand.u32 $0x7, v12;
	[tilespmem:v6+s8+$0x0] =	vst.idx.msk $0xff, v48;
	v6 =	vadd.s32 v51, v50  }
0x103: {  	[tilespmem:v7+s9+$0x0] =	vst.idx.msk $0xff, v10;
	v6 =	vor.u32 v52, v6;
	v7 =	vshll.u32 v49, $0x3  }
0x104: {  	[tilespmem:s11+$0x40] =	vst v5;
	v7 =	vadd.s32 v0, v7  }
0x105: {  	s30 =	sadd.s32 $0x6, s13;
	[tilespmem:s11+$0x50] =	vst v5;
	v53, _, _ =	vpop (xrf2)  }
0x106: {  	[tilespmem:s11+$0x60] =	vst v5;
	v55 =	vmov s30;
	v54 =	vmul.f32 v24, v23;
	v9 =	vbroadcast v53, $0xF  }
0x107: {  	[tilespmem:s11+$0x70] =	vst v5;
	v56 =	vand.u32 $0xFFFFFFF8, v15;
	v57 =	vshll.u32 v55, $0x6  }
0x108: {  	v58 =	vand.u32 $0x7, v15;
	[tilespmem:v6+s8+$0x0] =	vst.idx.msk $0xff, v54;
	v6 =	vadd.s32 v57, v56;
	(erf) = vrcp.f32 v9  }
0x109: {  	[tilespmem:v7+s9+$0x0] =	vst.idx.msk $0xff, v12;
	v6 =	vor.u32 v58, v6;
	v7 =	vshll.u32 v55, $0x3  }
0x10a: {  	[tilespmem:s11+$0x80] =	vst v5;
	v7 =	vor.u32 v0, v7  }
0x10b: {  	s31 =	sadd.s32 $0x7, s13;
	[tilespmem:s11+$0x90] =	vst v5  }
0x10c: {  	[tilespmem:s11+$0xA0] =	vst v5;
	v59 =	vmov s31;
	v8 =	vmul.f32 v41, v26  }
0x10d: {  	[tilespmem:s11+$0xB0] =	vst v5;
	v60 =	vand.u32 $0xFFFFFFF8, v21;
	v61 =	vshll.u32 v59, $0x6  }
0x10e: {  	v62 =	vadd.s32 v61, v60;
	[tilespmem:v6+s8+$0x0] =	vst.idx.msk $0xff, v8;
	v6 =	vand.u32 $0x7, v21  }
0x10f: {  	[tilespmem:v7+s9+$0x0] =	vst.idx.msk $0xff, v15;
	v6 =	vor.u32 v6, v62;
	v7 =	vshll.u32 v59, $0x3  }
0x110: {  	p0 =	slt.u32 s13, $0x1F8;
	[tilespmem:s11+$0xC0] =	vst v5;
	v7 =	vadd.s32 v0, v7  }
.Ltmp0:
0x111: {  	[tilespmem:s11+$0xD0] =	vst v5;
	v63 =	vpop (erf);
	(pc) =	sbr.rel @p0 .LBB2_2-.Ltmp0, $4  }
0x112: {  	[tilespmem:s11+$0xE0] =	vst v5;
	v8 =	vmul.f32 v63, v11  }
0x113: {  	[tilespmem:s11+$0xF0] =	vst v5  }
0x114: {  	[tilespmem:v6+s8+$0x0] =	vst.idx.msk $0xff, v8  }
0x115: {  	s11 =	sadd.s32 $0x200, s11;
	s12 =	sadd.s32 $0x200, s12;
	s13 =	sadd.s32 $0x8, s13;
	[tilespmem:v7+s9+$0x0] =	vst.idx.msk $0xff, v21  }
0x116: {  	[hbm4b:s4+s2] =	stream.linear.scatter [tilespmem:s8], [sflag:$0x1], $0x8000, $0x38;
	[tilespmem:$0x11000] =	vst v63  }
0x117: {  	s10 =	sadd.s32 $0x1, s10;
	_ =	swait.ge [sflag:s7], $0x8000  }
0x118: {  	p0 =	sne.s32 s10, s6;
	[sflag:s7] =	ssyncset.done $0x0  }
.Ltmp1:
0x119: {  	[sflag:s7] =	ssyncadd.s32 $0xFFFF8000;
	(pc) =	sbr.rel @p0 .LBB2_1-.Ltmp1, $4  }
0x11a: {  	[hbm4b:s5+s2] =	stream.linear.scatter [tilespmem:s9], [sflag:$0x1], $0x1000, $0x38;
	[tilespmem:$0x11000] =	vst v63  }
0x11b: {  	_ =	swait.ge [sflag:s7], $0x1000  }
0x11c: {  	[sflag:s7] =	ssyncset.done $0x0  }
0x11d: {  	[sflag:s7] =	ssyncadd.s32 $0xFFFFF000  }
0x11e: {  	_ =	sfence.sel $0x180000  }
0x11f: {  	[bflag:$0x0] =	sbarrier.arrive $0xFFFF  }
0x120: {  	p0 =	sne.s32 s0, $0x0;
	_ =	strace $0x90000047  }
0x121: {  	s0 =	sadd.s32 @!p0 $0x100000, s1;
	[bflag:$0x2] =	sbarrier.arrive $0xFFFF  }
0x122: {  	[sflag:s0] =	ssyncadd.tile.s32 @!p0 $0x1;
	_ =	shalt  }
.Lfunc_end2:
_tile_overlayer_lowered:
.L_overlay_start_2:
0x123: {  	(tag) =	ssettag $0x2  }
0x124: {  	s0 =	rddreg [dreg:$0x0];
	s2 =	stileid.u32  }
0x125: {  	s1 =	rddreg [dreg:$0x1];
	p0 =	sne.s32 s2, $0x0  }
0x126: {  	s3 =	rddreg [dreg:$0x2];
	[bflag:$0x3] =	sbarrier.arrive $0xFFFF;
	s2 =	simm.s32 @!p0 $0x1C01  }
0x127: {  	[timem:s3], [sflag:s2] =	dma.local @!p0 [hbm:s0], s1  }
0x128: {  	s0 =	simm.s32 @!p0 $0x1  }
0x129: {  	_ =	swait.ge @!p0 [sflag:s0], s1  }
0x12a: {  	s1 =	ssub.s32 @!p0 $0x0, s1;
	[sflag:s0] =	ssyncset.done @!p0 $0x0  }
0x12b: {  	[sflag:s0] =	ssyncadd.s32 @!p0 s1  }
0x12c: {  	[bflag:$0x3] =	sbarrier.arrive $0xFFFF  }
0x12d: {  	_ =	shalt  }

</sc_bundles>
